<compile_context>
chip_gen: v7x
topology: tpu7x:2x2x1
jax: 0.10.2.dev20260603
libtpu: 0.0.44.dev20260713+nightly
codegen_flags: <defaults>
</compile_context>

<pallas_src>
import jax
import jax.numpy as jnp
from jax import lax
from jax.experimental import pallas as pl
from jax.experimental.pallas import tpu as pltpu
from jax.experimental.pallas import tpu_sc as plsc

B = 16
T_SPEECH = 4096
T_TXT = 512
L = 16
HALF = T_SPEECH // 2
HCHUNKS = HALF // L


def _body(m_hbm, d_hbm, out_hbm, m_v, d_v, o_v, sem_m, sem_d):
    half = lax.axis_index("c")
    row = lax.axis_index("s")
    ho = half * HALF

    cp_m = pltpu.async_copy(m_hbm.at[row], m_v.at[pl.ds(0, T_SPEECH)], sem_m)
    cp_d = pltpu.async_copy(d_hbm.at[row], d_v, sem_d)
    m_v[pl.ds(T_SPEECH, L)] = jnp.full((L,), T_TXT, jnp.int32)
    cp_m.wait()
    cp_d.wait()

    @plsc.parallel_loop(0, HCHUNKS, unroll=8,
                        carry=jnp.zeros((L,), jnp.float32))
    def _pre(k, acc):
        idx = m_v[pl.ds(k * L, L)]
        idxn = m_v[pl.ds(k * L + 1, L)]
        g = plsc.load_gather(d_v, [jnp.maximum(idx - 1, 0)])
        mel2dur = jnp.where(idx > 0, g, jnp.float32(1.0))
        return acc + jnp.where(idxn > idx, mel2dur, jnp.float32(0.0))

    base = (jnp.float32(HALF) - jnp.sum(_pre)) * half.astype(jnp.float32)
    last = jnp.full((L,), L - 1, jnp.int32)

    @plsc.parallel_loop(0, HCHUNKS, unroll=8,
                        carry=jnp.zeros((L,), jnp.float32) + base)
    def _loop(k, carry):
        idx = m_v[pl.ds(ho + k * L, L)]
        idxn = m_v[pl.ds(ho + k * L + 1, L)]
        g = plsc.load_gather(d_v, [jnp.maximum(idx - 1, 0)])
        pos = idx > 0
        mel2dur = jnp.where(pos, g, jnp.float32(1.0))
        delta = jnp.where(idxn > idx, jnp.float32(1.0) - mel2dur,
                          jnp.float32(1.0))
        csum = plsc.cumsum(delta)
        excl = csum - delta + carry
        o_v[pl.ds(k * L, L)] = jnp.where(
            pos, excl / mel2dur, jnp.float32(0.0))
        return carry + csum.at[last].get(mode="promise_in_bounds")

    pltpu.sync_copy(o_v, out_hbm.at[row, pl.ds(ho, HALF)])


@jax.jit
def _run(mel2ph, dur):
    mesh = plsc.VectorSubcoreMesh(core_axis_name="c", subcore_axis_name="s")
    f = pl.kernel(
        _body,
        out_type=jax.ShapeDtypeStruct((B, T_SPEECH), jnp.float32),
        mesh=mesh,
        compiler_params=pltpu.CompilerParams(needs_layout_passes=False),
        scratch_types=[
            pltpu.VMEM((T_SPEECH + L,), jnp.int32),
            pltpu.VMEM((T_TXT,), jnp.float32),
            pltpu.VMEM((HALF,), jnp.float32),
            pltpu.SemaphoreType.DMA,
            pltpu.SemaphoreType.DMA,
        ],
    )
    return f(mel2ph, dur)


def kernel(mel2ph, dur):
    return _run(mel2ph.astype(jnp.int32), dur)

# --- scband reference (transcript-rebuilt; emitter-appended) ---
"""Pipeline reference for scband-stretch-regulator-53858889892060 (READ-ONLY COPY).

The authoritative reference and input builder live on the scoring server;
editing this copy changes nothing except your own understanding.
"""

import jax, jax.numpy as jnp
import numpy as np

B = 16
T_SPEECH = 4096
T_TXT = 512


def setup_inputs(seed: int = 0) -> dict:
    key = jax.random.key(seed)
    k1, k2 = jax.random.split(key)
    # monotonically non-decreasing mel2ph per row (sorted_randint), values in [0, T_TXT)
    mel2ph = jnp.sort(jax.random.randint(k1, (B, T_SPEECH), 0, T_TXT, dtype=jnp.int64), axis=-1)
    # positive durations so division is well-conditioned
    dur = jax.random.uniform(k2, (B, T_TXT), minval=1.0, maxval=10.0, dtype=jnp.float32)
    return {"mel2ph": mel2ph, "dur": dur}


def reference(mel2ph, dur):
    # dur = F.pad(dur, [1, 0], value=1)
    dur_p = jnp.pad(dur, ((0, 0), (1, 0)), constant_values=1.0)
    # mel2dur = torch.gather(dur, 1, mel2ph)
    mel2dur = jnp.take_along_axis(dur_p, mel2ph, axis=1)
    # bound_mask = mel2ph[:, 1:] > mel2ph[:, :-1], padded right with True
    bound_mask = mel2ph[:, 1:] > mel2ph[:, :-1]
    bound_mask = jnp.pad(bound_mask, ((0, 0), (0, 1)), constant_values=True)
    # stretch_delta = 1 - bound_mask * mel2dur
    stretch_delta = 1.0 - bound_mask.astype(mel2dur.dtype) * mel2dur
    # F.pad(stretch_delta, [1, -1]) -> shift right by one, drop last, zero-fill left
    stretch_delta = jnp.concatenate(
        [jnp.zeros((stretch_delta.shape[0], 1), dtype=stretch_delta.dtype), stretch_delta[:, :-1]],
        axis=1,
    )
    stretch_denorm = jnp.cumsum(stretch_delta, axis=1)
    stretch = stretch_denorm / mel2dur
    return stretch * (mel2ph > 0).astype(stretch.dtype)

if __name__ == "__main__":
    import jax
    _d = setup_inputs()
    print(jax.jit(kernel)(*tuple(_d.values())))

</pallas_src>

<mosaic_0001>
#map = affine_map<(d0, d1) -> (0, 0)>
module attributes {stable_mosaic.version = 14 : i64} {
  func.func @_body(%arg0: i32, %arg1: i32, %arg2: memref<16x4096xi32, #tpu.memory_space<hbm>>, %arg3: memref<16x512xf32, #tpu.memory_space<hbm>>, %arg4: memref<16x4096xf32, #tpu.memory_space<hbm>>, %arg5: memref<4112xi32, #tpu.memory_space<vmem>>, %arg6: memref<512xf32, #tpu.memory_space<vmem>>, %arg7: memref<2048xf32, #tpu.memory_space<vmem>>, %arg8: memref<!tpu.dma_semaphore, #tpu.memory_space<semaphore_mem>>, %arg9: memref<!tpu.dma_semaphore, #tpu.memory_space<semaphore_mem>>) attributes {dimension_semantics = [#tpu.dimension_semantics<core_parallel>, #tpu.dimension_semantics<subcore_parallel>], iteration_bounds = array<i64: 2, 16>, scalar_prefetch = 0 : i64, scratch_operands = 5 : i64, tpu.core_type = #tpu.core_type<sc_vector_subcore>, window_params = [{transform_indices = #map}, {transform_indices = #map}, {transform_indices = #map}]} {
    %mul3A = arith.constant 2048 : i32
    %mul3A_0 = arith.muli %arg0, %mul3A : i32
    %dma_start3A = arith.constant 0 : i32
    %dma_start3A_1 = tpu.memref_slice %arg5[%dma_start3A] : memref<4112xi32, #tpu.memory_space<vmem>> -> memref<4096xi32, #tpu.memory_space<vmem>>
    %dma_start3A_2 = arith.constant 0 : i32
    %dma_start3A_3 = tpu.memref_slice %arg2[%arg1, %dma_start3A_2] : memref<16x4096xi32, #tpu.memory_space<hbm>> -> memref<1x4096xi32, #tpu.memory_space<hbm>>
    %dma_start3A_4 = tpu.memref_squeeze %dma_start3A_3 : memref<1x4096xi32, #tpu.memory_space<hbm>> -> memref<4096xi32, #tpu.memory_space<hbm>>
    %dma_start3A_5 = arith.constant 0 : i32
    %dma_start3A_6 = tpu.memref_slice %arg5[%dma_start3A_5] : memref<4112xi32, #tpu.memory_space<vmem>> -> memref<4096xi32, #tpu.memory_space<vmem>>
    %dma_start3A_7 = arith.constant 0 : i32
    %dma_start3A_8 = tpu.memref_slice %arg2[%arg1, %dma_start3A_7] : memref<16x4096xi32, #tpu.memory_space<hbm>> -> memref<1x4096xi32, #tpu.memory_space<hbm>>
    %dma_start3A_9 = tpu.memref_squeeze %dma_start3A_8 : memref<1x4096xi32, #tpu.memory_space<hbm>> -> memref<4096xi32, #tpu.memory_space<hbm>>
    tpu.enqueue_dma source(%dma_start3A_9 : memref<4096xi32, #tpu.memory_space<hbm>>) target(%dma_start3A_6 : memref<4096xi32, #tpu.memory_space<vmem>>) target_semaphore(%arg8 : memref<!tpu.dma_semaphore, #tpu.memory_space<semaphore_mem>>)
    %dma_start3A_10 = arith.constant 0 : i32
    %dma_start3A_11 = tpu.memref_slice %arg3[%arg1, %dma_start3A_10] : memref<16x512xf32, #tpu.memory_space<hbm>> -> memref<1x512xf32, #tpu.memory_space<hbm>>
    %dma_start3A_12 = tpu.memref_squeeze %dma_start3A_11 : memref<1x512xf32, #tpu.memory_space<hbm>> -> memref<512xf32, #tpu.memory_space<hbm>>
    %dma_start3A_13 = arith.constant 0 : i32
    %dma_start3A_14 = tpu.memref_slice %arg3[%arg1, %dma_start3A_13] : memref<16x512xf32, #tpu.memory_space<hbm>> -> memref<1x512xf32, #tpu.memory_space<hbm>>
    %dma_start3A_15 = tpu.memref_squeeze %dma_start3A_14 : memref<1x512xf32, #tpu.memory_space<hbm>> -> memref<512xf32, #tpu.memory_space<hbm>>
    tpu.enqueue_dma source(%dma_start3A_15 : memref<512xf32, #tpu.memory_space<hbm>>) target(%arg6 : memref<512xf32, #tpu.memory_space<vmem>>) target_semaphore(%arg9 : memref<!tpu.dma_semaphore, #tpu.memory_space<semaphore_mem>>)
    %broadcast_in_dim3A = arith.constant 512 : i32
    %broadcast_in_dim3A_16 = vector.broadcast %broadcast_in_dim3A : i32 to vector<16xi32>
    %swap3A = arith.constant 4096 : index
    %swap3A_17 = tpu.vector_load %arg5[%swap3A] {strides = array<i32>} : memref<4112xi32, #tpu.memory_space<vmem>>, vector<16xi32>,
    tpu.vector_store %arg5[%swap3A], %broadcast_in_dim3A_16 {strides = array<i32>} : memref<4112xi32, #tpu.memory_space<vmem>>, vector<16xi32>,
    %dma_wait3A = arith.constant 0 : i32
    %dma_wait3A_18 = tpu.memref_slice %arg5[%dma_wait3A] : memref<4112xi32, #tpu.memory_space<vmem>> -> memref<4096xi32, #tpu.memory_space<vmem>>
    %dma_wait3A_19 = arith.constant 0 : i32
    %dma_wait3A_20 = tpu.memref_slice %arg2[%arg1, %dma_wait3A_19] : memref<16x4096xi32, #tpu.memory_space<hbm>> -> memref<1x4096xi32, #tpu.memory_space<hbm>>
    %dma_wait3A_21 = tpu.memref_squeeze %dma_wait3A_20 : memref<1x4096xi32, #tpu.memory_space<hbm>> -> memref<4096xi32, #tpu.memory_space<hbm>>
    %dma_wait3A_22 = arith.constant 0 : i32
    %dma_wait3A_23 = tpu.memref_slice %arg5[%dma_wait3A_22] : memref<4112xi32, #tpu.memory_space<vmem>> -> memref<4096xi32, #tpu.memory_space<vmem>>
    %dma_wait3A_24 = arith.constant 0 : i32
    %dma_wait3A_25 = tpu.memref_slice %arg2[%arg1, %dma_wait3A_24] : memref<16x4096xi32, #tpu.memory_space<hbm>> -> memref<1x4096xi32, #tpu.memory_space<hbm>>
    %dma_wait3A_26 = tpu.memref_squeeze %dma_wait3A_25 : memref<1x4096xi32, #tpu.memory_space<hbm>> -> memref<4096xi32, #tpu.memory_space<hbm>>
    tpu.wait_dma2 semaphore(%arg8 : memref<!tpu.dma_semaphore, #tpu.memory_space<semaphore_mem>>) src(%dma_wait3A_26 : memref<4096xi32, #tpu.memory_space<hbm>>) dst(%dma_wait3A_23 : memref<4096xi32, #tpu.memory_space<vmem>>)
    %dma_wait3A_27 = arith.constant 0 : i32
    %dma_wait3A_28 = tpu.memref_slice %arg3[%arg1, %dma_wait3A_27] : memref<16x512xf32, #tpu.memory_space<hbm>> -> memref<1x512xf32, #tpu.memory_space<hbm>>
    %dma_wait3A_29 = tpu.memref_squeeze %dma_wait3A_28 : memref<1x512xf32, #tpu.memory_space<hbm>> -> memref<512xf32, #tpu.memory_space<hbm>>
    %dma_wait3A_30 = arith.constant 0 : i32
    %dma_wait3A_31 = tpu.memref_slice %arg3[%arg1, %dma_wait3A_30] : memref<16x512xf32, #tpu.memory_space<hbm>> -> memref<1x512xf32, #tpu.memory_space<hbm>>
    %dma_wait3A_32 = tpu.memref_squeeze %dma_wait3A_31 : memref<1x512xf32, #tpu.memory_space<hbm>> -> memref<512xf32, #tpu.memory_space<hbm>>
    tpu.wait_dma2 semaphore(%arg9 : memref<!tpu.dma_semaphore, #tpu.memory_space<semaphore_mem>>) src(%dma_wait3A_32 : memref<512xf32, #tpu.memory_space<hbm>>) dst(%arg6 : memref<512xf32, #tpu.memory_space<vmem>>)
    %broadcast_in_dim3A_33 = arith.constant 0.000000e+00 : f32
    %broadcast_in_dim3A_34 = vector.broadcast %broadcast_in_dim3A_33 : f32 to vector<16xf32>
    %parallel_loop3A = arith.constant 0 : i32
    %parallel_loop3A_35 = arith.constant 128 : i32
    %parallel_loop3A_36 = arith.constant 1 : i32
    %parallel_loop3A_37 = scf.for %parallel_loop3A_52 = %parallel_loop3A to %parallel_loop3A_35 step %parallel_loop3A_36 iter_args(%parallel_loop3A_53 = %broadcast_in_dim3A_34) -> (vector<16xf32>)  : i32 {
      %parallel_loop3A_54 = arith.constant 16 : i32
      %parallel_loop3A_55 = arith.muli %parallel_loop3A_52, %parallel_loop3A_54 : i32
      %parallel_loop3A_56 = arith.index_cast %parallel_loop3A_55 : i32 to index
      %parallel_loop3A_57 = tpu.vector_load %arg5[%parallel_loop3A_56] {strides = array<i32>} : memref<4112xi32, #tpu.memory_space<vmem>>, vector<16xi32>,
      %parallel_loop3A_58 = arith.constant 16 : i32
      %parallel_loop3A_59 = arith.muli %parallel_loop3A_52, %parallel_loop3A_58 : i32
      %parallel_loop3A_60 = arith.constant 1 : i32
      %parallel_loop3A_61 = arith.addi %parallel_loop3A_59, %parallel_loop3A_60 : i32
      %parallel_loop3A_62 = arith.index_cast %parallel_loop3A_61 : i32 to index
      %parallel_loop3A_63 = tpu.vector_load %arg5[%parallel_loop3A_62] {strides = array<i32>} : memref<4112xi32, #tpu.memory_space<vmem>>, vector<16xi32>,
      %parallel_loop3A_64 = arith.constant 1 : i32
      %parallel_loop3A_65 = vector.broadcast %parallel_loop3A_64 : i32 to vector<16xi32>
      %parallel_loop3A_66 = arith.subi %parallel_loop3A_57, %parallel_loop3A_65 : vector<16xi32>
      %parallel_loop3A_67 = arith.constant 0 : i32
      %parallel_loop3A_68 = vector.broadcast %parallel_loop3A_67 : i32 to vector<16xi32>
      %parallel_loop3A_69 = arith.maxsi %parallel_loop3A_66, %parallel_loop3A_68 : vector<16xi32>
      %parallel_loop3A_70 = tpu.vector_load_idx %arg6[%parallel_loop3A_69] : memref<512xf32, #tpu.memory_space<vmem>>[vector<16xi32>], vector<16xf32>,
      %parallel_loop3A_71 = arith.constant 0 : i32
      %parallel_loop3A_72 = vector.broadcast %parallel_loop3A_71 : i32 to vector<16xi32>
      %parallel_loop3A_73 = arith.cmpi sgt, %parallel_loop3A_57, %parallel_loop3A_72 : vector<16xi32>
      %parallel_loop3A_74 = arith.constant 1.000000e+00 : f32
      %parallel_loop3A_75 = vector.broadcast %parallel_loop3A_74 : f32 to vector<16xf32>
      %parallel_loop3A_76 = arith.select %parallel_loop3A_73, %parallel_loop3A_70, %parallel_loop3A_75 : vector<16xi1>, vector<16xf32>
      %parallel_loop3A_77 = arith.cmpi sgt, %parallel_loop3A_63, %parallel_loop3A_57 : vector<16xi32>
      %parallel_loop3A_78 = arith.constant 0.000000e+00 : f32
      %parallel_loop3A_79 = vector.broadcast %parallel_loop3A_78 : f32 to vector<16xf32>
      %parallel_loop3A_80 = arith.select %parallel_loop3A_77, %parallel_loop3A_76, %parallel_loop3A_79 : vector<16xi1>, vector<16xf32>
      %parallel_loop3A_81 = arith.addf %parallel_loop3A_53, %parallel_loop3A_80 : vector<16xf32>
      scf.yield %parallel_loop3A_81 : vector<16xf32>
    } {sc.loop_unroll_factor = 8 : i64, sc.parallel_access}
    %reduce_sum3A = arith.constant true
    %reduce_sum3A_38 = vector.broadcast %reduce_sum3A : i1 to vector<16xi1>
    %reduce_sum3A_39 = tpu.scan <sum>, %parallel_loop3A_37 masked %reduce_sum3A_38 : vector<16xf32>, vector<16xi1> -> vector<16xf32>
    %reduce_sum3A_40 = vector.extract %reduce_sum3A_39[15] : f32 from vector<16xf32>
    %sub3A = arith.constant 2.048000e+03 : f32
    %sub3A_41 = arith.subf %sub3A, %reduce_sum3A_40 : f32
    %convert_element_type3A = arith.sitofp %arg0 : i32 to f32
    %mul3A_42 = arith.mulf %sub3A_41, %convert_element_type3A : f32
    %broadcast_in_dim3A_43 = arith.constant 15 : i32
    %broadcast_in_dim3A_44 = vector.broadcast %broadcast_in_dim3A_43 : i32 to vector<16xi32>
    %broadcast_in_dim3A_45 = arith.constant 0.000000e+00 : f32
    %broadcast_in_dim3A_46 = vector.broadcast %broadcast_in_dim3A_45 : f32 to vector<16xf32>
    %add3A = vector.broadcast %mul3A_42 : f32 to vector<16xf32>
    %add3A_47 = arith.addf %broadcast_in_dim3A_46, %add3A : vector<16xf32>
    %parallel_loop3A_48 = arith.constant 0 : i32
    %parallel_loop3A_49 = arith.constant 128 : i32
    %parallel_loop3A_50 = arith.constant 1 : i32
    %parallel_loop3A_51 = scf.for %parallel_loop3A_52 = %parallel_loop3A_48 to %parallel_loop3A_49 step %parallel_loop3A_50 iter_args(%parallel_loop3A_53 = %add3A_47) -> (vector<16xf32>)  : i32 {
      %parallel_loop3A_54 = arith.constant 16 : i32
      %parallel_loop3A_55 = arith.muli %parallel_loop3A_52, %parallel_loop3A_54 : i32
      %parallel_loop3A_56 = arith.addi %mul3A_0, %parallel_loop3A_55 : i32
      %parallel_loop3A_57 = arith.index_cast %parallel_loop3A_56 : i32 to index
      %parallel_loop3A_58 = tpu.vector_load %arg5[%parallel_loop3A_57] {strides = array<i32>} : memref<4112xi32, #tpu.memory_space<vmem>>, vector<16xi32>,
      %parallel_loop3A_59 = arith.constant 16 : i32
      %parallel_loop3A_60 = arith.muli %parallel_loop3A_52, %parallel_loop3A_59 : i32
      %parallel_loop3A_61 = arith.addi %mul3A_0, %parallel_loop3A_60 : i32
      %parallel_loop3A_62 = arith.constant 1 : i32
      %parallel_loop3A_63 = arith.addi %parallel_loop3A_61, %parallel_loop3A_62 : i32
      %parallel_loop3A_64 = arith.index_cast %parallel_loop3A_63 : i32 to index
      %parallel_loop3A_65 = tpu.vector_load %arg5[%parallel_loop3A_64] {strides = array<i32>} : memref<4112xi32, #tpu.memory_space<vmem>>, vector<16xi32>,
      %parallel_loop3A_66 = arith.constant 1 : i32
      %parallel_loop3A_67 = vector.broadcast %parallel_loop3A_66 : i32 to vector<16xi32>
      %parallel_loop3A_68 = arith.subi %parallel_loop3A_58, %parallel_loop3A_67 : vector<16xi32>
      %parallel_loop3A_69 = arith.constant 0 : i32
      %parallel_loop3A_70 = vector.broadcast %parallel_loop3A_69 : i32 to vector<16xi32>
      %parallel_loop3A_71 = arith.maxsi %parallel_loop3A_68, %parallel_loop3A_70 : vector<16xi32>
      %parallel_loop3A_72 = tpu.vector_load_idx %arg6[%parallel_loop3A_71] : memref<512xf32, #tpu.memory_space<vmem>>[vector<16xi32>], vector<16xf32>,
      %parallel_loop3A_73 = arith.constant 0 : i32
      %parallel_loop3A_74 = vector.broadcast %parallel_loop3A_73 : i32 to vector<16xi32>
      %parallel_loop3A_75 = arith.cmpi sgt, %parallel_loop3A_58, %parallel_loop3A_74 : vector<16xi32>
      %parallel_loop3A_76 = arith.constant 1.000000e+00 : f32
      %parallel_loop3A_77 = vector.broadcast %parallel_loop3A_76 : f32 to vector<16xf32>
      %parallel_loop3A_78 = arith.select %parallel_loop3A_75, %parallel_loop3A_72, %parallel_loop3A_77 : vector<16xi1>, vector<16xf32>
      %parallel_loop3A_79 = arith.cmpi sgt, %parallel_loop3A_65, %parallel_loop3A_58 : vector<16xi32>
      %parallel_loop3A_80 = arith.constant 1.000000e+00 : f32
      %parallel_loop3A_81 = vector.broadcast %parallel_loop3A_80 : f32 to vector<16xf32>
      %parallel_loop3A_82 = arith.subf %parallel_loop3A_81, %parallel_loop3A_78 : vector<16xf32>
      %parallel_loop3A_83 = arith.constant 1.000000e+00 : f32
      %parallel_loop3A_84 = vector.broadcast %parallel_loop3A_83 : f32 to vector<16xf32>
      %parallel_loop3A_85 = arith.select %parallel_loop3A_79, %parallel_loop3A_82, %parallel_loop3A_84 : vector<16xi1>, vector<16xf32>
      %parallel_loop3A_86 = arith.constant true
      %parallel_loop3A_87 = vector.broadcast %parallel_loop3A_86 : i1 to vector<16xi1>
      %parallel_loop3A_88 = tpu.scan <sum>, %parallel_loop3A_85 masked %parallel_loop3A_87 : vector<16xf32>, vector<16xi1> -> vector<16xf32>
      %parallel_loop3A_89 = arith.subf %parallel_loop3A_88, %parallel_loop3A_85 : vector<16xf32>
      %parallel_loop3A_90 = arith.addf %parallel_loop3A_89, %parallel_loop3A_53 : vector<16xf32>
      %parallel_loop3A_91 = arith.divf %parallel_loop3A_90, %parallel_loop3A_78 : vector<16xf32>
      %parallel_loop3A_92 = arith.constant 0.000000e+00 : f32
      %parallel_loop3A_93 = vector.broadcast %parallel_loop3A_92 : f32 to vector<16xf32>
      %parallel_loop3A_94 = arith.select %parallel_loop3A_75, %parallel_loop3A_91, %parallel_loop3A_93 : vector<16xi1>, vector<16xf32>
      %parallel_loop3A_95 = arith.constant 16 : i32
      %parallel_loop3A_96 = arith.muli %parallel_loop3A_52, %parallel_loop3A_95 : i32
      %parallel_loop3A_97 = arith.index_cast %parallel_loop3A_96 : i32 to index
      %parallel_loop3A_98 = tpu.vector_load %arg7[%parallel_loop3A_97] {strides = array<i32>} : memref<2048xf32, #tpu.memory_space<vmem>>, vector<16xf32>,
      tpu.vector_store %arg7[%parallel_loop3A_97], %parallel_loop3A_94 {strides = array<i32>} : memref<2048xf32, #tpu.memory_space<vmem>>, vector<16xf32>,
      %parallel_loop3A_99 = arith.constant 0 : i32
      %parallel_loop3A_100 = vector.broadcast %parallel_loop3A_99 : i32 to vector<16xi32>
      %parallel_loop3A_101 = arith.cmpi slt, %broadcast_in_dim3A_44, %parallel_loop3A_100 : vector<16xi32>
      %parallel_loop3A_102 = arith.constant 16 : i32
      %parallel_loop3A_103 = vector.broadcast %parallel_loop3A_102 : i32 to vector<16xi32>
      %parallel_loop3A_104 = arith.addi %broadcast_in_dim3A_44, %parallel_loop3A_103 : vector<16xi32>
      %parallel_loop3A_105 = arith.select %parallel_loop3A_101, %parallel_loop3A_104, %broadcast_in_dim3A_44 : vector<16xi1>, vector<16xi32>
      %parallel_loop3A_106 = vector.shape_cast %parallel_loop3A_105 : vector<16xi32> to vector<16x1xi32>
      %parallel_loop3A_107 = vector.shape_cast %parallel_loop3A_106 : vector<16x1xi32> to vector<16xi32>
      %parallel_loop3A_108 = tpu.dynamic_gather %parallel_loop3A_88[%parallel_loop3A_107] in [0] : vector<16xf32>, vector<16xi32> -> vector<16xf32>
      %parallel_loop3A_109 = arith.addf %parallel_loop3A_53, %parallel_loop3A_108 : vector<16xf32>
      scf.yield %parallel_loop3A_109 : vector<16xf32>
    } {sc.loop_unroll_factor = 8 : i64, sc.parallel_access}
    "tpu.region"() ({
      %run_scoped3A = tpu.sem_alloc : memref<!tpu.dma_semaphore, #tpu.memory_space<semaphore_mem>>
      %dma_start3A_52 = tpu.memref_slice %arg4[%arg1, %mul3A_0] : memref<16x4096xf32, #tpu.memory_space<hbm>> -> memref<1x2048xf32, #tpu.memory_space<hbm>>
      %dma_start3A_53 = tpu.memref_squeeze %dma_start3A_52 : memref<1x2048xf32, #tpu.memory_space<hbm>> -> memref<2048xf32, #tpu.memory_space<hbm>>
      %dma_start3A_54 = tpu.memref_slice %arg4[%arg1, %mul3A_0] : memref<16x4096xf32, #tpu.memory_space<hbm>> -> memref<1x2048xf32, #tpu.memory_space<hbm>>
      %dma_start3A_55 = tpu.memref_squeeze %dma_start3A_54 : memref<1x2048xf32, #tpu.memory_space<hbm>> -> memref<2048xf32, #tpu.memory_space<hbm>>
      tpu.enqueue_dma source(%arg7 : memref<2048xf32, #tpu.memory_space<vmem>>) target(%dma_start3A_55 : memref<2048xf32, #tpu.memory_space<hbm>>) target_semaphore(%run_scoped3A : memref<!tpu.dma_semaphore, #tpu.memory_space<semaphore_mem>>)
      %dma_wait3A_56 = tpu.memref_slice %arg4[%arg1, %mul3A_0] : memref<16x4096xf32, #tpu.memory_space<hbm>> -> memref<1x2048xf32, #tpu.memory_space<hbm>>
      %dma_wait3A_57 = tpu.memref_squeeze %dma_wait3A_56 : memref<1x2048xf32, #tpu.memory_space<hbm>> -> memref<2048xf32, #tpu.memory_space<hbm>>
      %dma_wait3A_58 = tpu.memref_slice %arg4[%arg1, %mul3A_0] : memref<16x4096xf32, #tpu.memory_space<hbm>> -> memref<1x2048xf32, #tpu.memory_space<hbm>>
      %dma_wait3A_59 = tpu.memref_squeeze %dma_wait3A_58 : memref<1x2048xf32, #tpu.memory_space<hbm>> -> memref<2048xf32, #tpu.memory_space<hbm>>
      tpu.wait_dma2 semaphore(%run_scoped3A : memref<!tpu.dma_semaphore, #tpu.memory_space<semaphore_mem>>) src(%arg7 : memref<2048xf32, #tpu.memory_space<vmem>>) dst(%dma_wait3A_59 : memref<2048xf32, #tpu.memory_space<hbm>>)
      tpu.yield
    }) : () -> ()
    return
  }
}

</mosaic_0001>

<sc_bundles>
// kernel: _run.3.cloned.1.call-start
scs
__scs_entry_jumppad:
0x0: {  	(pc) =	sbr.rel $0x88, $3  }
0x1: {  	(tag) =	ssettag $0x0;
	lr =	simm.s32 $0x1  }
0x2: {  	[smem:$0x3F9F] =	sst lr;
	_ =	strace $0xD0000000  }
0x3: {  	_ = 	snop  }
0x4: {  	_ = 	snop  }
0x5: {  	_ = 	snop  }
0x6: {  	_ = 	snop  }
0x7: {  	_ = 	snop  }
__scs_overlays_trampoline_lowered:
0x8: {  	[smem:$0x3FAE] =	sst s0  }
0x9: {  	[smem:$0x3FAF] =	sst s1  }
0xa: {  	[smem:$0x3FB0] =	sst s2  }
0xb: {  	[smem:$0x3FB1] =	sst s3  }
0xc: {  	[smem:$0x3FB2] =	sst s4  }
0xd: {  	[smem:$0x3FB3] =	sst s5  }
0xe: {  	[smem:$0x3FB4] =	sst s6  }
0xf: {  	[smem:$0x3FB5] =	sst s7  }
0x10: {  	[smem:$0x3FB6] =	sst s8  }
0x11: {  	[smem:$0x3FB7] =	sst s9;
	s0 =	simm.s32 @!p0 $0x0  }
0x12: {  	s1 =	sld [smem:$0x3F9D];
	s0 =	simm.s32 @p0 $0x1  }
0x13: {  	[smem:$0x3FB8] =	sst s0;
	s0 =	simm.s32 @!p1 $0x0  }
0x14: {  	s2 =	sld [smem:$0x3F9C];
	s0 =	simm.s32 @p1 $0x1  }
0x15: {  	[smem:$0x3FB9] =	sst s0;
	s0 =	simm.s32 @!p2 $0x0  }
0x16: {  	s3 =	sld [smem:$0x3FDB];
	s0 =	simm.s32 @p2 $0x1  }
0x17: {  	s4 =	simm.s32 $0x1BF5;
	[smem:$0x3FBB] =	sst s0  }
0x18: {  	s0 =	sld [smem:$0x3F9E];
	_ =	swait.ge [sflag:s4], $0x0  }
0x19: {  	s7 =	sld [smem:$0x3F9F]  }
0x1a: {  	s8 =	sadd.s32 $0xFFFFE003, lr  }
0x1b: {  	s9 =	sadd.s32 $0xFFFFFEF7, lr;
	s5 =	simm.s32 $0xFFFFFFFF;
	p2 =	slt.u32 s8, $0xFFFFF086  }
0x1c: {  	p1 =	slt.u32 s9, $0xF7A;
	s5 =	simm.s32 @!p2 $0x0  }
0x1d: {  	s5 =	simm.s32 @p1 $0x1;
	p0 =	seq.s32 s7, s2  }
0x1e: {  	s7 =	smul.u32 @!p0 $0xF7A, s2;
	p2 =	seq.s32 @!p0 s5, $0x0  }
0x1f: {  	s9 =	smul.u32 $0xF7A, s1;
	s8 =	simm.s32 @!p0 $0x1BF5;
	p2 =	por !p2, p0  }
0x20: {  	[sflag:s8] =	ssyncset.s32 @!p0 $0xFFFFF086;
	s6 =	sadd.s32 @!p0 s3, s7;
	s7 =	simm.s32 @!p0 $0x108  }
0x21: {  	s3 =	sadd.s32 s3, s9;
	s6 =	sadd.s32 @!p0 $0x88, s6;
	s7 =	simm.s32 @p2 $0x1082  }
0x22: {  	[simem:s7], [sflag:s8] =	dma.local @!p0 [hbm:s6], $0xF7A  }
0x23: {  	s9 =	sor.u32 $0xD0000000, s2;
	s6 =	simm.s32 $0x108;
	_ =	swait.ge @!p0 [sflag:s8], $0x0  }
0x24: {  	s3 =	sadd.s32 $0x88, s3;
	s6 =	simm.s32 @!p1 $0x1082;
	[sflag:s4] =	ssyncset.s32 $0xFFFFF086  }
0x25: {  	[simem:s6], [sflag:s4] =	dma.local [hbm:s3], $0xF7A  }
0x26: {  	[smem:$0x3F9F] =	sst s1;
	(tag) =	ssettag s2;
	_ =	strace s9  }
0x27: {  	s1 =	sld [smem:$0x3FAF]  }
0x28: {  	s2 =	sld [smem:$0x3FB0]  }
0x29: {  	s4 =	sld [smem:$0x3FB2]  }
0x2a: {  	p0 =	seq.s32 s5, $0x0;
	s5 =	sld [smem:$0x3FB3]  }
0x2b: {  	s6 =	sld [smem:$0x3FB4]  }
0x2c: {  	s7 =	sld [smem:$0x3FB5]  }
0x2d: {  	s3 =	simm.s32 $0x108;
	s8 =	sld [smem:$0x3FB6]  }
0x2e: {  	s3 =	simm.s32 @!p0 $0x1082;
	s9 =	sld [smem:$0x3FB7]  }
0x2f: {  	lr =	sadd.s32 s0, s3;
	s0 =	sld [smem:$0x3FAE]  }
0x30: {  	s3 =	sld [smem:$0x3FB1]  }
0x31: {  	[smem:$0x3FBA] =	sst s10  }
0x32: {  	s10 =	sld [smem:$0x3FB8];
	_ =	sdelay $0x3  }
0x33: {  	p0 =	seq.s32 s10, $0x1;
	s10 =	sld [smem:$0x3FBA];
	_ =	sdelay $0x3  }
0x34: {  	[smem:$0x3FBA] =	sst s10  }
0x35: {  	s10 =	sld [smem:$0x3FB9];
	_ =	sdelay $0x3  }
0x36: {  	p1 =	seq.s32 s10, $0x1;
	s10 =	sld [smem:$0x3FBA];
	_ =	sdelay $0x3  }
0x37: {  	[smem:$0x3FBA] =	sst s10  }
0x38: {  	s10 =	sld [smem:$0x3FBB]  }
0x39: {  	_ = 	snop;
	(pc) =	sbr.ind lr, $3  }
0x3a: {  	_ = 	snop  }
0x3b: {  	_ = 	snop  }
0x3c: {  	p2 =	seq.s32 s10, $0x1;
	s10 =	sld [smem:$0x3FBA]  }
0x3d: {  	_ =	shalt  }
0x3e: {  	_ =	shalt  }
0x3f: {  	_ =	shalt  }
0x40: {  	_ =	shalt  }
0x41: {  	_ =	shalt  }
0x42: {  	_ =	shalt  }
0x43: {  	_ =	shalt  }
0x44: {  	_ =	shalt  }
0x45: {  	_ =	shalt  }
0x46: {  	_ =	shalt  }
0x47: {  	_ =	shalt  }
0x48: {  	_ =	shalt  }
0x49: {  	_ =	shalt  }
0x4a: {  	_ =	shalt  }
0x4b: {  	_ =	shalt  }
0x4c: {  	_ =	shalt  }
0x4d: {  	_ =	shalt  }
0x4e: {  	_ =	shalt  }
0x4f: {  	_ =	shalt  }
0x50: {  	_ =	shalt  }
0x51: {  	_ =	shalt  }
0x52: {  	_ =	shalt  }
0x53: {  	_ =	shalt  }
0x54: {  	_ =	shalt  }
0x55: {  	_ =	shalt  }
0x56: {  	_ =	shalt  }
0x57: {  	_ =	shalt  }
0x58: {  	_ =	shalt  }
0x59: {  	_ =	shalt  }
0x5a: {  	_ =	shalt  }
0x5b: {  	_ =	shalt  }
0x5c: {  	_ =	shalt  }
0x5d: {  	_ =	shalt  }
0x5e: {  	_ =	shalt  }
0x5f: {  	_ =	shalt  }
0x60: {  	_ =	shalt  }
0x61: {  	_ =	shalt  }
0x62: {  	_ =	shalt  }
0x63: {  	_ =	shalt  }
0x64: {  	_ =	shalt  }
0x65: {  	_ =	shalt  }
0x66: {  	_ =	shalt  }
0x67: {  	_ =	shalt  }
0x68: {  	_ =	shalt  }
0x69: {  	_ =	shalt  }
0x6a: {  	_ =	shalt  }
0x6b: {  	_ =	shalt  }
0x6c: {  	_ =	shalt  }
0x6d: {  	_ =	shalt  }
0x6e: {  	_ =	shalt  }
0x6f: {  	_ =	shalt  }
0x70: {  	_ =	shalt  }
0x71: {  	_ =	shalt  }
0x72: {  	_ =	shalt  }
0x73: {  	_ =	shalt  }
0x74: {  	_ =	shalt  }
0x75: {  	_ =	shalt  }
0x76: {  	_ =	shalt  }
0x77: {  	_ =	shalt  }
0x78: {  	_ =	shalt  }
0x79: {  	_ =	shalt  }
0x7a: {  	_ =	shalt  }
0x7b: {  	_ =	shalt  }
0x7c: {  	_ =	shalt  }
0x7d: {  	_ =	shalt  }
0x7e: {  	_ =	shalt  }
0x7f: {  	_ =	shalt  }
0x80: {  	_ =	shalt  }
0x81: {  	_ =	shalt  }
0x82: {  	_ =	shalt  }
0x83: {  	_ =	shalt  }
0x84: {  	_ =	shalt  }
0x85: {  	_ =	shalt  }
0x86: {  	_ =	shalt  }
0x87: {  	_ =	shalt  }
.Lfunc_end0:
.L_simem_size_0:
called_computation_lowered:
.L_overlay_start_0:
0x88: {  	s2 =	sld [smem:$0x3FD9]  }
0x89: {  	s3 =	sld [smem:$0x3FFE];
	_ =	sdelay $0x1  }
0x8a: {  	s1 =	srdreg.scid  }
0x8b: {  	s0 =	sand.u32 $0x1, s1  }
0x8c: {  	s18 =	sshll.u32 s0, $0xA;
	s2 =	sadd.s32 s3, s2  }
0x8d: {  	s2 =	sadd.s32 s2, s18  }
0x8e: {  	[smem:$0x3FC6] =	sst s2  }
0x8f: {  	_ = 	snop  }
0x90: {  	s2 =	sld [smem:$0x3FC9]  }
0x91: {  	s19 =	sld [smem:$0x3FC8]  }
0x92: {  	s4 =	sld [smem:$0x3FD0];
	(tm) =	ssettm $0x1  }
0x93: {  	s5 =	sld [smem:$0x3FFB];
	_ =	sdelay $0x3  }
0x94: {  	_ =	strace s5  }
0x95: {  	s5 =	sld [smem:$0x3FFC];
	_ =	sdelay $0x3  }
0x96: {  	_ =	strace s5  }
0x97: {  	s5 =	sld [smem:$0x3FFD];
	_ =	sdelay $0x3  }
0x98: {  	_ =	strace s5  }
0x99: {  	_ =	strace $0x8FFFFFFF  }
0x9a: {  	s20 =	sld [smem:$0x3FDB];
	_ =	sdelay $0x1  }
0x9b: {  	s6 =	simm.s32 $_scs_section_size  }
0x9c: {  	s7 =	simm.s32 $_size__tile_overlayer_lowered;
	s8 =	simm.s32 $_tile_overlayer_lowered  }
0x9d: {  	s23 =	simm.s32 $0x1BFF;
	s22 =	sshll.u32 s8, $0x1;
	s5 =	sadd.s32 s6, s20  }
0x9e: {  	s9 =	simm.s32 $0x0;
	s21 =	sshll.u32 s7, $0x1;
	s7 =	sadd.s32 s22, s5  }
0x9f: {  	[timem:s9], [sflag:s23] =	dma.local [hbm:s7], s21  }
0xa0: {  	_ =	swait.ge [sflag:s23], s21  }
0xa1: {  	s6 =	ssub.s32 $0x0, s21;
	[sflag:s23] =	ssyncset.done $0x0  }
0xa2: {  	[sflag:s23] =	ssyncadd.s32 s6;
	_ =	sdelay $0x1  }
0xa3: {  	s24 =	simm.s32 $0x1B8B  }
0xa4: {  	_ =	swait.ge [sflag:s24], $0x1  }
0xa5: {  	[sflag:s24] =	ssyncset.done $0x0  }
0xa6: {  	s25 =	simm.s32 $0x1B8E;
	[sflag:s24] =	ssyncadd.s32 $0xFFFFFFFF  }
0xa7: {  	s26 =	simm.s32 $execute0_lowered;
	[smem:$0x3FD2] =	sst s25  }
0xa8: {  	s6 =	sshll.u32 s26, $0x1;
	_ =	strace $0x80000046;
	[dreg:$0x1] =	wrdreg $0xFFFFFFFF  }
0xa9: {  	s28 =	simm.s32 $_size_execute0_lowered;
	s5 =	sadd.s32 s5, s6;
	[dreg:$0x0] =	wrdreg $0x0  }
0xaa: {  	s6 =	sshll.u32 s28, $0x1;
	[dreg:$0x2] =	wrdreg s5  }
0xab: {  	[dreg:$0x3] =	wrdreg s6  }
0xac: {  	[dreg:$0x4] =	wrdreg $0xC0  }
0xad: {  	_ =	task [dreg:s9], $0x5FFFF  }
0xae: {  	[dreg:$0x1] =	wrdreg $0xFFFFFFFF  }
0xaf: {  	[dreg:$0x0] =	wrdreg $0x60  }
0xb0: {  	[dreg:$0x2] =	wrdreg s2  }
0xb1: {  	[dreg:$0x3] =	wrdreg s19  }
0xb2: {  	[dreg:$0x4] =	wrdreg s4  }
0xb3: {  	[dreg:$0x5] =	wrdreg $0x9  }
0xb4: {  	_ =	task.clear_ibuf [dreg:s9], $0x6FFFF;
	_ =	strace $0x90000046  }
0xb5: {  	s29 =	simm.s32 $0x9;
	_ =	strace $0x80000048  }
0xb6: {  	_ =	swait.ge [sflag:s29], $0x1  }
0xb7: {  	[sflag:s29] =	ssyncadd.s32 $0xFFFFFFFF  }
0xb8: {  	_ =	strace $0x90000048  }
0xb9: {  	_ =	sfence  }
0xba: {  	s30 =	sld [smem:$0x0];
	_ =	sdelay $0x2  }
0xbb: {  	s31 =	sshll.u32 s1, $0xD;
	s1 =	sshrl.u32 s1, $0x2  }
0xbc: {  	s3 =	sand.u32 $0x4000, s31;
	s1 =	sadd.s32 s1, s30  }
0xbd: {  	s0 =	sor.u32 s3, s0;
	s1 =	sshll.u32 s1, $0x11  }
0xbe: {  	s0 =	sor.u32 s1, s0  }
0xbf: {  	s0 =	sadd.s32 $0x8F2B, s0  }
0xc0: {  	[sflag:s0] =	ssyncadd.remote.s32 $0x1  }
0xc1: {  	_ =	sfence.sel $0xFFFF  }
0xc2: {  	[dreg:$0x0] =	wrdreg $0xFFFFFFFF;
	(pc) =	sbr.abs _section_cstart, $3  }
0xc3: {  	[dreg:$0x1] =	wrdreg $0xFFFFFFFF  }
0xc4: {  	_ =	task.clear_ibuf [dreg:s9], $0x2FFFF;
	_ =	strace $0x9FFFFFFF  }
0xc5: {  	(tm) =	ssettm $0x7FFFFFFF  }
tec
execute0_lowered:
.L_overlay_start_1:
0x0: {  	(tag) =	ssettag $0x1  }
0x1: {  	s3 =	rddreg [dreg:$0x0]  }
0x2: {  	s4 =	rddreg [dreg:$0x1]  }
0x3: {  	s6 =	rddreg [dreg:$0x2]  }
0x4: {  	s0 =	rddreg [dreg:$0x3]  }
0x5: {  	s2 =	simm.s32 $0x0;
	s5 =	srdreg.scid;
	s1 =	stileid.u32  }
0x6: {  	s12 =	simm.s32 $0x1;
	s13 =	simm.s32 $0x2;
	s14 =	simm.s32 $0x1280  }
0x7: {  	s15 =	simm.s32 $0x3;
	s16 =	simm.s32 $0x0;
	[smem:$0x7FF] =	sst s2  }
0x8: {  	s8 =	sand.u32 $0x1, s5;
	s7 =	sshrl.u32 s1, $0x3;
	s9 =	sshll.u32 s1, $0x7  }
0x9: {  	_ =	strace $0x80000047;
	s5 =	ssub.s32 $0x2, s8;
	s11 =	sshll.u32 s7, $0xF  }
0xa: {  	s9 =	sand.u32 $0x380, s9;
	s7 =	sshll.u32 s7, $0xC;
	s30 =	sshll.u32 s8, $0xE  }
0xb: {  	s10 =	sshrl.u32 s5, $0x1;
	s29 =	sor.u32 s9, s11;
	s7 =	sor.u32 s9, s7  }
0xc: {  	s10 =	ssub.s32 s5, s10;
	s11 =	sshrl.u32 s29, $0x3;
	s7 =	sshrl.u32 s7, $0x3  }
0xd: {  	s9 =	sor.u32 s30, s29;
	s5 =	scvt.s32.f32 s8;
	s8 =	sshll.u32 s8, $0xB  }
0xe: {  	s3 =	sadd.s32 s3, s11;
	s4 =	sadd.s32 s4, s7;
	s31 =	sshrl.u32 s9, $0x3  }
0xf: {  	s7 =	smax.u32 s10, $0x1;
	s8 =	sor.u32 $0x40, s8;
	s9 =	simm.s32 $0x80  }
0x10: {  	v0 =	vimm.s32 $0x200;
	v1 =	vimm.s32 $0xF;
	s10 =	simm.s32 $0x400;
	s11 =	simm.s32 $0x1080;
	s6 =	sadd.s32 s6, s31  }
.LBB2_1:
0x11: {  	[tilespmem:s2], [sflag:$0x1] =	stream.strided.gather [hbm4b:s3+s9], $0x1000, s10, s9, $0x38;
	[tilespmem:$0x1A80] =	vst v63  }
0x12: {  	_ = 	snop  }
0x13: {  	[tilespmem:s11], [sflag:$0x2] =	stream.strided.gather [hbm4b:s4+s9], $0x200, s10, s9, $0x38;
	[tilespmem:$0x1A80] =	vst v63  }
0x14: {  	[tilespmem:$0x1000] =	vst v0  }
0x15: {  	_ =	swait.ge [sflag:s12], $0x1000  }
0x16: {  	[sflag:s12] =	ssyncset.done $0x0  }
0x17: {  	[sflag:s12] =	ssyncadd.s32 $0xFFFFF000  }
0x18: {  	_ =	swait.ge [sflag:s13], $0x200  }
0x19: {  	[sflag:s13] =	ssyncset.done $0x0  }
0x1a: {  	s17 =	simm.s32 $0x40;
	[sflag:s13] =	ssyncadd.s32 $0xFFFFFE00  }
0x1b: {  	v10 =	vld [tilespmem:s17+$0xFFFFFFC0]  }
0x1c: {  	v11 =	vld [tilespmem:s17+$0xFFFFFFD0]  }
0x1d: {  	v3 =	vld [tilespmem:s17+$0x31]  }
0x1e: {  	v14 =	vld [tilespmem:s17+$0xFFFFFFE0]  }
0x1f: {  	v2 =	vld [tilespmem:s17+$0x21]  }
0x20: {  	v8 =	vld [tilespmem:s17+$0xFFFFFFF0];
	v4 =	vadd.s32 $0xFFFFFFFF, v10  }
0x21: {  	v12 =	vld [tilespmem:s17+$0xFFFFFFD1];
	vm0 =	vgt.s32 v4, $0x0  }
0x22: {  	v7 =	vld [tilespmem:s17+$0x0];
	v9 =	vnsel vm0, $0x0, v4;
	v4 =	vadd.s32 $0xFFFFFFFF, v11  }
0x23: {  	v6 =	vld [tilespmem:s17+$0x30];
	vm0 =	vgt.s32 v4, $0x0  }
0x24: {  	v5 =	vadd.s32 $0xFFFFFFFF, v14;
	v13 =	vnsel vm0, $0x0, v4;
	v4 =	vld [tilespmem:s17+$0x10]  }
0x25: {  	v18 =	vld [tilespmem:s17+$0xFFFFFFC1];
	v16 =	vadd.s32 $0xFFFFFFFF, v8;
	vm0 =	vgt.s32 v5, $0x0  }
0x26: {  	v15 =	vnsel vm0, $0x0, v5;
	v5 =	vld [tilespmem:s17+$0x20];
	vm0 =	vgt.s32 v16, $0x0  }
0x27: {  	v16 =	vnsel vm0, $0x0, v16;
	v17 =	vld.idx.msk [tilespmem:v9+s11+$0x0], $0xffff;
	v9 =	vadd.s32 $0xFFFFFFFF, v7  }
0x28: {  	v23 =	vld [tilespmem:s17+$0xFFFFFFE1];
	vm0 =	vgt.s32 v9, $0x0  }
0x29: {  	v20 =	vimm.f32 $0.0e+00;
	v19 =	vld.idx.msk [tilespmem:v13+s11+$0x0], $0xffff;
	v21 =	vnsel vm0, $0x0, v9;
	v13 =	vadd.s32 $0xFFFFFFFF, v4  }
0x2a: {  	vm1 =	vgt.s32 v12, v11;
	vm3 =	vgt.s32 v10, $0x0;
	v9 =	vld [tilespmem:s17+$0x11];
	vm2 =	vgt.s32 v13, $0x0  }
0x2b: {  	vm0 =	vgt.s32 v11, $0x0;
	v22 =	vld.idx.msk [tilespmem:v15+s11+$0x0], $0xffff;
	v11 =	vadd.s32 $0xFFFFFFFF, v5;
	v24 =	vnsel vm2, $0x0, v13  }
0x2c: {  	vm2 =	vgt.s32 v18, v10;
	v10 =	vld.idx.msk [tilespmem:v16+s11+$0x0], $0xffff;
	v12 =	vnsel vm3, $0x3F800000, v17;
	vm3 =	vgt.s32 v11, $0x0  }
0x2d: {  	v16 =	vadd.s32 $0xFFFFFFFF, v6;
	v15 =	vnsel vm2, $0x0, v12;
	v12 =	vld [tilespmem:s17+$0xFFFFFFF1];
	v13 =	vnsel vm3, $0x0, v11  }
0x2e: {  	v17 =	vadd.f32 v15, v20;
	v15 =	vnsel vm0, $0x3F800000, v19;
	v11 =	vld.idx.msk [tilespmem:v21+s11+$0x0], $0xffff;
	vm0 =	vgt.s32 v16, $0x0  }
0x2f: {  	v18 =	vnsel vm1, $0x0, v15;
	vm1 =	vgt.s32 v14, $0x0;
	v15 =	vld [tilespmem:s17+$0x1];
	v16 =	vnsel vm0, $0x0, v16  }
0x30: {  	s18 =	simm.s32 $0xC0;
	s17 =	simm.s32 $0x0;
	vm0 =	vgt.s32 v23, v14;
	v17 =	vadd.f32 v18, v17;
	v18 =	vnsel vm1, $0x3F800000, v22;
	v14 =	vld.idx.msk [tilespmem:v24+s11+$0x0], $0xffff  }
.LBB2_2:
0x31: {  	v19 =	vld [tilespmem:s18+$0xFFFFFFC0];
	v18 =	vnsel vm0, $0x0, v18;
	vm1 =	vgt.s32 v8, $0x0;
	vm0 =	vgt.s32 v3, v6  }
0x32: {  	s17 =	sadd.s32 $0x8, s17;
	v3 =	vadd.f32 v18, v17;
	v10 =	vnsel vm1, $0x3F800000, v10;
	vm1 =	vgt.s32 v12, v8;
	v12 =	vld.idx.msk [tilespmem:v13+s11+$0x0], $0xffff  }
0x33: {  	vm2 =	vgt.s32 v7, $0x0;
	p0 =	slt.u32 s17, $0x78;
	v13 =	vld [tilespmem:s18+$0xFFFFFFD0];
	v8 =	vnsel vm1, $0x0, v10;
	vm1 =	vgt.s32 v6, $0x0  }
0x34: {  	v6 =	vadd.f32 v8, v3;
	v8 =	vnsel vm2, $0x3F800000, v11;
	vm2 =	vgt.s32 v15, v7;
	v10 =	vld.idx.msk [tilespmem:v16+s11+$0x0], $0xffff  }
0x35: {  	vm3 =	vgt.s32 v2, v5;
	v3 =	vld [tilespmem:s18+$0x31];
	v7 =	vnsel vm2, $0x0, v8;
	vm2 =	vgt.s32 v4, $0x0  }
0x36: {  	v20 =	vld [tilespmem:s18+$0xFFFFFFE0];
	v6 =	vadd.f32 v7, v6;
	v7 =	vnsel vm2, $0x3F800000, v14;
	vm2 =	vgt.s32 v9, v4  }
0x37: {  	v4 =	vadd.s32 $0xFFFFFFFF, v19;
	v2 =	vld [tilespmem:s18+$0x21];
	v7 =	vnsel vm2, $0x0, v7;
	vm2 =	vgt.s32 v5, $0x0  }
0x38: {  	vm4 =	vgt.s32 v4, $0x0;
	v8 =	vld [tilespmem:s18+$0xFFFFFFF0];
	v5 =	vadd.f32 v7, v6;
	v6 =	vnsel vm2, $0x3F800000, v12  }
0x39: {  	v9 =	vnsel vm4, $0x0, v4;
	v4 =	vadd.s32 $0xFFFFFFFF, v13;
	v11 =	vld [tilespmem:s18+$0xFFFFFFD1];
	v6 =	vnsel vm3, $0x0, v6  }
0x3a: {  	vm2 =	vgt.s32 v4, $0x0;
	v10 =	vnsel vm1, $0x3F800000, v10;
	v7 =	vld [tilespmem:s18+$0x0];
	v5 =	vadd.f32 v6, v5  }
0x3b: {  	v12 =	vnsel vm2, $0x0, v4;
	v10 =	vnsel vm0, $0x0, v10;
	v14 =	vadd.s32 $0xFFFFFFFF, v20;
	v6 =	vld [tilespmem:s18+$0x30]  }
0x3c: {  	vm0 =	vgt.s32 v14, $0x0;
	v4 =	vld [tilespmem:s18+$0x10];
	v15 =	vadd.f32 v10, v5  }
0x3d: {  	v10 =	vnsel vm0, $0x0, v14;
	v14 =	vadd.s32 $0xFFFFFFFF, v8;
	v5 =	vld [tilespmem:s18+$0x20]  }
0x3e: {  	v16 =	vld.idx.msk [tilespmem:v9+s11+$0x0], $0xffff;
	vm0 =	vgt.s32 v14, $0x0  }
0x3f: {  	v17 =	vld [tilespmem:s18+$0xFFFFFFC1];
	v14 =	vnsel vm0, $0x0, v14;
	v9 =	vadd.s32 $0xFFFFFFFF, v7  }
0x40: {  	v18 =	vld.idx.msk [tilespmem:v12+s11+$0x0], $0xffff;
	vm0 =	vgt.s32 v9, $0x0  }
0x41: {  	v21 =	vnsel vm0, $0x0, v9;
	v9 =	vld [tilespmem:s18+$0x11];
	v12 =	vadd.s32 $0xFFFFFFFF, v4  }
0x42: {  	vm1 =	vgt.s32 v11, v13;
	vm0 =	vgt.s32 v13, $0x0;
	v22 =	vld.idx.msk [tilespmem:v10+s11+$0x0], $0xffff;
	vm2 =	vgt.s32 v12, $0x0  }
0x43: {  	vm3 =	vgt.s32 v19, $0x0;
	v11 =	vadd.s32 $0xFFFFFFFF, v5;
	v23 =	vld [tilespmem:s18+$0xFFFFFFE1];
	v24 =	vnsel vm2, $0x0, v12  }
.Ltmp0:
0x44: {  	v12 =	vnsel vm3, $0x3F800000, v16;
	vm3 =	vgt.s32 v11, $0x0;
	vm2 =	vgt.s32 v17, v19;
	v10 =	vld.idx.msk [tilespmem:v14+s11+$0x0], $0xffff;
	(pc) =	sbr.rel @p0 .LBB2_2-.Ltmp0, $4  }
0x45: {  	v16 =	vadd.s32 $0xFFFFFFFF, v6;
	v13 =	vnsel vm3, $0x0, v11;
	v14 =	vnsel vm2, $0x0, v12;
	v12 =	vld [tilespmem:s18+$0xFFFFFFF1]  }
0x46: {  	v14 =	vadd.f32 v14, v15;
	v15 =	vnsel vm0, $0x3F800000, v18;
	v11 =	vld.idx.msk [tilespmem:v21+s11+$0x0], $0xffff;
	vm0 =	vgt.s32 v16, $0x0  }
0x47: {  	v17 =	vnsel vm1, $0x0, v15;
	vm1 =	vgt.s32 v20, $0x0;
	v15 =	vld [tilespmem:s18+$0x1];
	v16 =	vnsel vm0, $0x0, v16  }
0x48: {  	s18 =	sadd.s32 $0x80, s18;
	v17 =	vadd.f32 v17, v14;
	v18 =	vnsel vm1, $0x3F800000, v22;
	vm0 =	vgt.s32 v23, v20;
	v14 =	vld.idx.msk [tilespmem:v24+s11+$0x0], $0xffff  }
0x49: {  	_ =	sdelay $0x1  }
0x4a: {  	v18 =	vnsel vm0, $0x0, v18;
	vm0 =	vgt.s32 v8, $0x0  }
0x4b: {  	v17 =	vadd.f32 v18, v17;
	v10 =	vnsel vm0, $0x3F800000, v10;
	vm0 =	vgt.s32 v12, v8  }
0x4c: {  	v8 =	vld.idx.msk [tilespmem:v13+s11+$0x0], $0xffff;
	v10 =	vnsel vm0, $0x0, v10;
	vm0 =	vgt.s32 v7, $0x0  }
0x4d: {  	v10 =	vadd.f32 v10, v17;
	v11 =	vnsel vm0, $0x3F800000, v11;
	vm0 =	vgt.s32 v15, v7  }
0x4e: {  	v7 =	vld.idx.msk [tilespmem:v16+s11+$0x0], $0xffff;
	v11 =	vnsel vm0, $0x0, v11;
	vm0 =	vgt.s32 v4, $0x0  }
0x4f: {  	v10 =	vadd.f32 v11, v10;
	v11 =	vnsel vm0, $0x3F800000, v14;
	vm0 =	vgt.s32 v9, v4  }
0x50: {  	v4 =	vnsel vm0, $0x0, v11;
	vm0 =	vgt.s32 v5, $0x0  }
0x51: {  	vm1 =	vgt.s32 v2, v5;
	v2 =	vadd.f32 v4, v10;
	v4 =	vnsel vm0, $0x3F800000, v8  }
0x52: {  	vm0 =	vgt.s32 v6, $0x0;
	v4 =	vnsel vm1, $0x0, v4  }
0x53: {  	vm1 =	vgt.s32 v3, v6;
	v3 =	vnsel vm0, $0x3F800000, v7;
	v2 =	vadd.f32 v4, v2  }
0x54: {  	v3 =	vnsel vm1, $0x0, v3  }
0x55: {  	v2 =	vadd.f32 v3, v2;
	_ =	sdelay $0x1  }
0x56: {  	v3 =	vld [tilespmem:s8+$0x30];
	(xrf2) =	vadd.scan.msk.f32 $0xffff, v2;
	_ =	sdelay $0x1  }
0x57: {  	v2 =	vld [tilespmem:s8+$0x10];
	_ =	sdelay $0x1  }
0x58: {  	v5 =	vld [tilespmem:s8+$0xFFFFFFF0]  }
0x59: {  	v4 =	vadd.s32 $0xFFFFFFFF, v3  }
0x5a: {  	v7 =	vld [tilespmem:s8+$0xFFFFFFD0];
	vm0 =	vgt.s32 v4, $0x0  }
0x5b: {  	v4 =	vnsel vm0, $0x0, v4;
	v6 =	vadd.s32 $0xFFFFFFFF, v2  }
0x5c: {  	v9 =	vld [tilespmem:s8+$0xFFFFFFC0];
	vm0 =	vgt.s32 v6, $0x0  }
0x5d: {  	v19 =	vld [tilespmem:s8+$0x20];
	v8 =	vadd.s32 $0xFFFFFFFF, v5;
	v6 =	vnsel vm0, $0x0, v6  }
0x5e: {  	v12 =	vld [tilespmem:s8+$0xFFFFFFE0];
	vm0 =	vgt.s32 v8, $0x0;
	v10, _, _ =	vpop (xrf2)  }
0x5f: {  	v16 =	vld [tilespmem:s8+$0x0];
	v8 =	vnsel vm0, $0x0, v8;
	(v2sf) =	vpush v10, $0xF;
	v10 =	vadd.s32 $0xFFFFFFFF, v7  }
0x60: {  	v4 =	vld.idx.msk [tilespmem:v4+s11+$0x0], $0xffff;
	vm0 =	vgt.s32 v10, $0x0  }
0x61: {  	v11 =	vld [tilespmem:s8+$0x31];
	v13 =	vadd.s32 $0xFFFFFFFF, v9;
	v10 =	vnsel vm0, $0x0, v10  }
0x62: {  	vm1 =	vgt.s32 v13, $0x0;
	v6 =	vld.idx.msk [tilespmem:v6+s11+$0x0], $0xffff  }
0x63: {  	v14 =	vld [tilespmem:s8+$0x11];
	v13 =	vnsel vm1, $0x0, v13  }
0x64: {  	v18 =	vadd.s32 $0xFFFFFFFF, v12;
	v8 =	vld.idx.msk [tilespmem:v8+s11+$0x0], $0xffff;
	vm0 =	vgt.s32 v3, $0x0  }
0x65: {  	v15 =	vld [tilespmem:s8+$0xFFFFFFF1];
	vm2 =	vgt.s32 v18, $0x0;
	v4 =	vnsel vm0, $0x3F800000, v4  }
0x66: {  	v18 =	vnsel vm2, $0x0, v18;
	vm1 =	vgt.s32 v2, $0x0;
	v17 =	vsub.f32 $1.000000000e+00, v4;
	v10 =	vld.idx.msk [tilespmem:v10+s11+$0x0], $0xffff  }
0x67: {  	vm2 =	vgt.s32 v5, $0x0;
	vm3 =	vgt.s32 v11, v3;
	v3 =	vnsel vm1, $0x3F800000, v6;
	v6 =	vld [tilespmem:s8+$0xFFFFFFD1]  }
0x68: {  	v11 =	vsub.f32 $1.000000000e+00, v3;
	v17 =	vnsel vm3, $0x3F800000, v17;
	vm3 =	vgt.s32 v14, v2;
	v2 =	vld.idx.msk [tilespmem:v13+s11+$0x0], $0xffff  }
0x69: {  	vm4 =	vgt.s32 v7, $0x0;
	v8 =	vnsel vm2, $0x3F800000, v8;
	v13 =	vadd.s32 $0xFFFFFFFF, v16  }
0x6a: {  	v20 =	vld [tilespmem:s8+$0xFFFFFFC1];
	v14 =	vsub.f32 $1.000000000e+00, v8;
	v11 =	vnsel vm3, $0x3F800000, v11;
	vm3 =	vgt.s32 v13, $0x0  }
0x6b: {  	vm5 =	vgt.s32 v15, v5;
	v5 =	vnsel vm3, $0x0, v13;
	v10 =	vnsel vm4, $0x3F800000, v10  }
0x6c: {  	(xrf2) =	vadd.scan.msk.f32 $0xffff, v17;
	v14 =	vnsel vm5, $0x3F800000, v14;
	vm5 =	vgt.s32 v9, $0x0;
	v13 =	vsub.f32 $1.000000000e+00, v10  }
0x6d: {  	v15 =	vld.idx.msk [tilespmem:v18+s11+$0x0], $0xffff;
	vm3 =	vgt.s32 v6, v7;
	v6 =	vadd.s32 $0xFFFFFFFF, v19;
	v2 =	vnsel vm5, $0x3F800000, v2  }
0x6e: {  	(xrf2) =	vadd.scan.msk.f32 $0xffff, v11;
	s17 =	spop (v2sf);
	v7 =	vnsel vm3, $0x3F800000, v13;
	vm3 =	vgt.s32 v6, $0x0;
	v13 =	vsub.f32 $1.000000000e+00, v2  }
0x6f: {  	v18 =	vld [tilespmem:s8+$0xFFFFFFE1];
	(xrf2) =	vadd.scan.msk.f32 $0xffff, v14;
	s17 =	ssub.f32 $2.048000000e+03, s17;
	v6 =	vnsel vm3, $0x0, v6;
	vm3 =	vgt.s32 v20, v9  }
0x70: {  	vm6 =	vgt.s32 v12, $0x0;
	v5 =	vld.idx.msk [tilespmem:v5+s11+$0x0], $0xffff;
	(xrf2) =	vadd.scan.msk.f32 $0xffff, v7;
	v9 =	vnsel vm3, $0x3F800000, v13  }
0x71: {  	vm9 =	vmmov vm6;
	s17 =	smul.f32 s5, s17;
	(xrf2) =	vadd.scan.msk.f32 $0xffff, v9  }
0x72: {  	vm7 =	vgt.s32 v16, $0x0;
	(erf) = vrcp.f32 v4;
	v13 =	vnsel vm6, $0x3F800000, v15  }
0x73: {  	(erf) = vrcp.f32 v3;
	v20 =	vld [tilespmem:s8+$0x1];
	v4 =	vsub.f32 $1.000000000e+00, v13;
	v15 =	vmov s17  }
0x74: {  	(erf) = vrcp.f32 v8;
	vm3 =	vgt.s32 v18, v12;
	v15 =	vadd.f32 $0.0e+00, v15  }
0x75: {  	(erf) = vrcp.f32 v10;
	v4 =	vnsel vm3, $0x3F800000, v4;
	v5 =	vnsel vm7, $0x3F800000, v5;
	v3 =	vld.idx.msk [tilespmem:v6+s11+$0x0], $0xffff  }
0x76: {  	(erf) = vrcp.f32 v2;
	v8, _, _ =	vpop (xrf2);
	(xrf2) =	vadd.scan.msk.f32 $0xffff, v4;
	v2 =	vsub.f32 $1.000000000e+00, v5;
	v6 =	vbroadcast v15, $0x0;
	v15 =	vld [tilespmem:s8+$0x21]  }
0x77: {  	vm13 =	vmmov vm7;
	vm8 =	vmmov vm2;
	vm10 =	vmmov vm1  }
0x78: {  	s19 =	sadd.s32 $0x80, s8;
	vm11 =	vmmov vm0;
	(erf) = vrcp.f32 v13;
	v10, _, _ =	vpop (xrf2);
	vm3 =	vgt.s32 v20, v16  }
0x79: {  	v13, _, _ =	vpop (xrf2);
	(erf) = vrcp.f32 v5;
	v5 =	vld [tilespmem:s19+$0x30];
	v16 =	vnsel vm3, $0x3F800000, v2;
	vm3 =	vgt.s32 v19, $0x0  }
0x7a: {  	vm1 =	vmmov vm4;
	v12 =	vsub.f32 v8, v17;
	(xrf2) =	vadd.scan.msk.f32 $0xffff, v16;
	v2, _, _ =	vpop (xrf2);
	v3 =	vnsel vm3, $0x3F800000, v3  }
0x7b: {  	v8 =	vperm.xlane v8, v1;
	v17 =	vsub.f32 $1.000000000e+00, v3;
	vm0 =	vgt.s32 v15, v19;
	v15, _, _ =	vpop (xrf2)  }
0x7c: {  	v18 =	vld [tilespmem:s19+$0x10];
	(erf) = vrcp.f32 v3;
	v3 =	vperm.xlane v15, v1;
	v9 =	vsub.f32 v15, v9  }
0x7d: {  	v11 =	vsub.f32 v10, v11;
	v7 =	vsub.f32 v2, v7;
	v2 =	vperm.xlane v2, v1  }
0x7e: {  	v20 =	vld [tilespmem:s19+$0xFFFFFFF0];
	v19 =	vadd.s32 $0xFFFFFFFF, v5;
	v17 =	vnsel vm0, $0x3F800000, v17;
	v3 =	vadd.f32 v3, v6  }
0x7f: {  	v10 =	vperm.xlane v10, v1;
	v15 =	vpop (erf);
	vm2 =	vgt.s32 v19, $0x0;
	(xrf2) =	vadd.scan.msk.f32 $0xffff, v17;
	v6 =	vadd.f32 v9, v6  }
0x80: {  	v19 =	vnsel vm2, $0x0, v19;
	v9, _, _ =	vpop (xrf2);
	v22 =	vadd.f32 v2, v3;
	v3 =	vadd.f32 v7, v3  }
0x81: {  	v14 =	vsub.f32 v13, v14;
	v24 =	vadd.s32 $0xFFFFFFFF, v18;
	v21 =	vpop (erf);
	v2 =	vperm.xlane v9, v1  }
0x82: {  	v13 =	vperm.xlane v13, v1;
	vm2 =	vgt.s32 v24, $0x0;
	v23 =	vpop (erf);
	v4 =	vsub.f32 v9, v4;
	v9 =	vld [tilespmem:s19+$0xFFFFFFD0]  }
0x83: {  	vm6 =	vgt.s32 v20, $0x0;
	v24 =	vnsel vm2, $0x0, v24;
	v7 =	vpop (erf);
	v25 =	vadd.f32 v2, v22  }
0x84: {  	v26 =	vld [tilespmem:s19+$0xFFFFFFC0];
	v2 =	vmul.f32 v3, v7;
	v7 =	vadd.f32 v4, v22;
	v4 =	vadd.s32 $0xFFFFFFFF, v20;
	v3, _, _ =	vpop (xrf2)  }
0x85: {  	v13 =	vadd.f32 v13, v25;
	v22 =	vperm.xlane v3, v1;
	v3 =	vsub.f32 v3, v16;
	v16 =	vld.idx.msk [tilespmem:v19+s11+$0x0], $0xffff  }
0x86: {  	vm0 =	vmmov vm5;
	vm2 =	vgt.s32 v4, $0x0;
	v14 =	vadd.f32 v14, v25;
	v25 =	vld [tilespmem:s19+$0x31]  }
0x87: {  	v4 =	vnsel vm2, $0x0, v4;
	v19 =	vadd.f32 v22, v13;
	v22 =	vadd.s32 $0xFFFFFFFF, v9  }
0x88: {  	v27 =	vld [tilespmem:s19+$0xFFFFFFE0];
	v23 =	vmul.f32 v14, v23;
	v13 =	vadd.f32 v3, v13;
	vm2 =	vgt.s32 v22, $0x0  }
0x89: {  	v14 =	vld.idx.msk [tilespmem:v24+s11+$0x0], $0xffff;
	v3, _, _ =	vpop (xrf2);
	v10 =	vadd.f32 v10, v19;
	v22 =	vnsel vm2, $0x0, v22;
	vm2 =	vgt.s32 v5, $0x0  }
0x8a: {  	v28 =	vld [tilespmem:s19+$0x11];
	v24 =	vperm.xlane v3, v1;
	v3 =	vsub.f32 v3, v17;
	v17 =	vadd.s32 $0xFFFFFFFF, v26  }
0x8b: {  	v30 =	vld [tilespmem:s19+$0x0];
	v16 =	vnsel vm2, $0x3F800000, v16;
	vm5 =	vgt.s32 v25, v5;
	vm4 =	vgt.s32 v17, $0x0  }
0x8c: {  	v4 =	vld.idx.msk [tilespmem:v4+s11+$0x0], $0xffff;
	(erf) = vrcp.f32 v16;
	v24 =	vadd.f32 v24, v10;
	v29 =	vadd.f32 v3, v10  }
0x8d: {  	v5 =	vld [tilespmem:s19+$0xFFFFFFF1];
	v17 =	vnsel vm4, $0x0, v17;
	v10 =	vsub.f32 $1.000000000e+00, v16;
	vm4 =	vgt.s32 v18, $0x0  }
0x8e: {  	v14 =	vnsel vm4, $0x3F800000, v14;
	v3 =	vadd.f32 v8, v24;
	v8 =	vadd.s32 $0xFFFFFFFF, v27  }
0x8f: {  	v16 =	vnsel vm5, $0x3F800000, v10;
	v22 =	vld.idx.msk [tilespmem:v22+s11+$0x0], $0xffff;
	v25 =	vsub.f32 $1.000000000e+00, v14;
	vm5 =	vgt.s32 v8, $0x0  }
0x90: {  	(erf) = vrcp.f32 v14;
	v14 =	vld [tilespmem:s19+$0xFFFFFFD1];
	(xrf2) =	vadd.scan.msk.f32 $0xffff, v16;
	v8 =	vnsel vm5, $0x0, v8;
	vm5 =	vgt.s32 v28, v18  }
0x91: {  	v10 =	vld [tilespmem:s19+$0x20];
	v12 =	vadd.f32 v12, v24;
	v4 =	vnsel vm6, $0x3F800000, v4;
	v25 =	vnsel vm5, $0x3F800000, v25  }
0x92: {  	v24 =	vadd.s32 $0xFFFFFFFF, v30;
	vm7 =	vgt.s32 v5, v20;
	v18 =	vsub.f32 $1.000000000e+00, v4;
	v17 =	vld.idx.msk [tilespmem:v17+s11+$0x0], $0xffff;
	(xrf2) =	vadd.scan.msk.f32 $0xffff, v25  }
0x93: {  	vm12 =	vgt.s32 v24, $0x0;
	(erf) = vrcp.f32 v4;
	vm5 =	vgt.s32 v9, $0x0  }
0x94: {  	v4 =	vld [tilespmem:s19+$0xFFFFFFC1];
	v12 =	vmul.f32 v12, v15;
	v20 =	vnsel vm7, $0x3F800000, v18;
	v5 =	vnsel vm5, $0x3F800000, v22  }
0x95: {  	v18 =	vnsel vm12, $0x0, v24;
	vm7 =	vgt.s32 v26, $0x0;
	(xrf2) =	vadd.scan.msk.f32 $0xffff, v20;
	v24 =	vsub.f32 $1.000000000e+00, v5  }
0x96: {  	v22 =	vpop (erf);
	vm12 =	vgt.s32 v14, v9;
	(erf) = vrcp.f32 v5;
	v5 =	vadd.f32 v11, v19;
	v31 =	vld.idx.msk [tilespmem:v8+s11+$0x0], $0xffff  }
0x97: {  	v60 =	vpop (erf);
	v8 =	vadd.s32 $0xFFFFFFFF, v10;
	v11 =	vnsel vm7, $0x3F800000, v17;
	v17 =	vnsel vm12, $0x3F800000, v24  }
0x98: {  	v9 =	vpop (erf);
	vm12 =	vgt.s32 v8, $0x0;
	v24 =	vld [tilespmem:s19+$0xFFFFFFE1];
	v19 =	vsub.f32 $1.000000000e+00, v11;
	(erf) = vrcp.f32 v11;
	(xrf2) =	vadd.scan.msk.f32 $0xffff, v17  }
0x99: {  	v28 =	vmul.f32 v7, v60;
	v14 =	vpop (erf);
	v32 =	vnsel vm12, $0x0, v8;
	vm12 =	vgt.s32 v4, v26  }
0x9a: {  	v21 =	vmul.f32 v5, v21;
	v15 =	vld.idx.msk [tilespmem:v18+s11+$0x0], $0xffff;
	v11, _, _ =	vpop (xrf2);
	v19 =	vnsel vm12, $0x3F800000, v19;
	vm12 =	vgt.s32 v27, $0x0  }
0x9b: {  	v62 =	vld [tilespmem:s19+$0x1];
	v14 =	vmul.f32 v29, v14;
	v4 =	vpop (erf);
	v8 =	vsub.f32 v11, v16;
	v16 =	vnsel vm12, $0x3F800000, v31  }
0x9c: {  	v26 =	vmul.f32 v13, v9;
	v18 =	vmul.f32 v6, v22;
	v61 =	vsub.f32 $1.000000000e+00, v16;
	v13, _, _ =	vpop (xrf2);
	(xrf2) =	vadd.scan.msk.f32 $0xffff, v19  }
0x9d: {  	v6 =	vnsel vm11, $0x0, v12;
	v5 =	vpop (erf);
	vm14 =	vgt.s32 v24, v27;
	(erf) = vrcp.f32 v16  }
0x9e: {  	s17 =	simm.s32 $0x12C0;
	v9 =	vpop (erf);
	v7 =	vsub.f32 v13, v25;
	v16 =	vnsel vm14, $0x3F800000, v61;
	vm14 =	vgt.s32 v30, $0x0;
	v25 =	vld.idx.msk [tilespmem:v32+s11+$0x0], $0xffff  }
0x9f: {  	[tilespmem:s17+$0x30] =	vst v6;
	v63 =	vnsel vm3, $0x0, v14;
	v14 =	vnsel vm13, $0x0, v26;
	v22, _, _ =	vpop (xrf2);
	v24 =	vnsel vm14, $0x3F800000, v15  }
0xa0: {  	vm3 =	vgt.s32 v62, v30;
	v12 =	vpop (erf);
	(xrf2) =	vadd.scan.msk.f32 $0xffff, v16;
	v15 =	vsub.f32 v22, v20;
	v20 =	vsub.f32 $1.000000000e+00, v24  }
0xa1: {  	v26 =	vld [tilespmem:s19+$0x21];
	[tilespmem:s17+$0x20] =	vst v63;
	v27 =	vnsel vm10, $0x0, v21;
	v21 =	vnsel vm8, $0x0, v23;
	v23 =	vnsel vm9, $0x0, v28;
	v6 =	vpop (erf)  }
0xa2: {  	s18 =	simm.s32 $0x8;
	s19 =	sadd.s32 $0x80, s19;
	[tilespmem:s17+$0x10] =	vst v27;
	(erf) = vrcp.f32 v24;
	v20 =	vnsel vm3, $0x3F800000, v20;
	vm3 =	vgt.s32 v10, $0x0;
	v24, _, _ =	vpop (xrf2)  }
.LBB2_4:
0xa3: {  	v17 =	vsub.f32 v24, v17;
	v25 =	vnsel vm3, $0x3F800000, v25;
	v2 =	vnsel vm1, $0x0, v2  }
0xa4: {  	v27 =	vld [tilespmem:s19+$0x30];
	(xrf2) =	vadd.scan.msk.f32 $0xffff, v20;
	vm11 =	vmmov vm2;
	vm9 =	vmmov vm4;
	vm8 =	vmmov vm6  }
0xa5: {  	v18 =	vnsel vm0, $0x0, v18;
	vm1 =	vmmov vm5;
	v28 =	vsub.f32 $1.000000000e+00, v25;
	[tilespmem:s17+$0x0] =	vst v14  }
0xa6: {  	vm0 =	vmmov vm7;
	vm2 =	vgt.s32 v26, v10;
	v10, _, _ =	vpop (xrf2);
	(erf) = vrcp.f32 v25;
	[tilespmem:s17+$0xFFFFFFF0] =	vst v21  }
0xa7: {  	v25 =	vld [tilespmem:s19+$0x10];
	v19 =	vsub.f32 v10, v19;
	v10 =	vperm.xlane v10, v1;
	v26 =	vnsel vm2, $0x3F800000, v28;
	v14 =	vpop (erf);
	[tilespmem:s17+$0xFFFFFFE0] =	vst v23  }
0xa8: {  	vm10 =	vmmov vm12;
	vm13 =	vmmov vm14;
	(xrf2) =	vadd.scan.msk.f32 $0xffff, v26;
	[tilespmem:s17+$0xFFFFFFD0] =	vst v2  }
0xa9: {  	v28 =	vperm.xlane v24, v1;
	v2 =	vadd.s32 $0xFFFFFFFF, v27;
	v10 =	vadd.f32 v10, v3;
	[tilespmem:s17+$0xFFFFFFC0] =	vst v18  }
0xaa: {  	v18 =	vadd.f32 v19, v3;
	v23 =	vld [tilespmem:s19+$0xFFFFFFF0];
	vm2 =	vgt.s32 v2, $0x0;
	v3, _, _ =	vpop (xrf2)  }
0xab: {  	s18 =	sadd.s32 $0x8, s18;
	v19 =	vnsel vm2, $0x0, v2;
	v24 =	vadd.f32 v28, v10;
	v2 =	vperm.xlane v3, v1;
	v21 =	vpop (erf)  }
0xac: {  	p0 =	slt.u32 s18, $0x78;
	v10 =	vadd.f32 v17, v10;
	v29 =	vsub.f32 v3, v16;
	v28 =	vadd.s32 $0xFFFFFFFF, v25  }
0xad: {  	v22 =	vperm.xlane v22, v1;
	v16 =	vld [tilespmem:s19+$0xFFFFFFD0];
	vm2 =	vgt.s32 v28, $0x0;
	v17 =	vadd.f32 v2, v24  }
0xae: {  	v2 =	vmul.f32 v10, v12;
	v12 =	vadd.f32 v29, v24;
	v28 =	vnsel vm2, $0x0, v28;
	v3, _, _ =	vpop (xrf2)  }
0xaf: {  	v24 =	vld [tilespmem:s19+$0xFFFFFFC0];
	v10 =	vadd.s32 $0xFFFFFFFF, v23;
	v22 =	vadd.f32 v22, v17;
	v29 =	vperm.xlane v3, v1;
	v30 =	vpop (erf)  }
0xb0: {  	v15 =	vadd.f32 v15, v17;
	v32 =	vsub.f32 v3, v20;
	vm2 =	vgt.s32 v10, $0x0;
	v19 =	vld.idx.msk [tilespmem:v19+s11+$0x0], $0xffff  }
0xb1: {  	v13 =	vperm.xlane v13, v1;
	v10 =	vnsel vm2, $0x0, v10;
	v17 =	vadd.f32 v29, v22  }
0xb2: {  	v20 =	vmul.f32 v15, v9;
	v15 =	vadd.f32 v32, v22;
	v29 =	vadd.s32 $0xFFFFFFFF, v16;
	v31 =	vld [tilespmem:s19+$0x31];
	v3, _, _ =	vpop (xrf2)  }
0xb3: {  	vm2 =	vgt.s32 v29, $0x0;
	v9 =	vld.idx.msk [tilespmem:v28+s11+$0x0], $0xffff;
	v13 =	vadd.f32 v13, v17;
	v22 =	vperm.xlane v3, v1  }
0xb4: {  	v3 =	vsub.f32 v3, v26;
	v28 =	vnsel vm2, $0x0, v29;
	v29 =	vld [tilespmem:s19+$0xFFFFFFE0];
	vm2 =	vgt.s32 v27, $0x0  }
0xb5: {  	v11 =	vperm.xlane v11, v1;
	v26 =	vadd.s32 $0xFFFFFFFF, v24;
	v32 =	vld [tilespmem:s19+$0x11];
	v22 =	vadd.f32 v22, v13  }
0xb6: {  	vm4 =	vgt.s32 v26, $0x0;
	v13 =	vadd.f32 v3, v13;
	v33 =	vld.idx.msk [tilespmem:v10+s11+$0x0], $0xffff;
	v10 =	vnsel vm2, $0x3F800000, v19  }
0xb7: {  	v19 =	vnsel vm4, $0x0, v26;
	v26 =	vld [tilespmem:s19+$0xFFFFFFF1];
	v34 =	vsub.f32 $1.000000000e+00, v10;
	v3 =	vadd.f32 v11, v22  }
0xb8: {  	vm4 =	vgt.s32 v25, $0x0;
	vm5 =	vgt.s32 v31, v27;
	v35 =	vld [tilespmem:s19+$0x0];
	(erf) = vrcp.f32 v10  }
0xb9: {  	v9 =	vnsel vm4, $0x3F800000, v9;
	v11 =	vld.idx.msk [tilespmem:v28+s11+$0x0], $0xffff;
	v10 =	vadd.s32 $0xFFFFFFFF, v29;
	v27 =	vnsel vm5, $0x3F800000, v34  }
0xba: {  	v31 =	vsub.f32 $1.000000000e+00, v9;
	v28 =	vld [tilespmem:s19+$0xFFFFFFD1];
	vm5 =	vgt.s32 v10, $0x0;
	(erf) = vrcp.f32 v9;
	(xrf2) =	vadd.scan.msk.f32 $0xffff, v27  }
0xbb: {  	vm6 =	vgt.s32 v23, $0x0;
	v9 =	vnsel vm5, $0x0, v10;
	vm5 =	vgt.s32 v32, v25;
	v10 =	vld [tilespmem:s19+$0x20]  }
0xbc: {  	v8 =	vadd.f32 v8, v22;
	v25 =	vnsel vm6, $0x3F800000, v33;
	v19 =	vld.idx.msk [tilespmem:v19+s11+$0x0], $0xffff;
	v31 =	vnsel vm5, $0x3F800000, v31  }
0xbd: {  	v22 =	vsub.f32 $1.000000000e+00, v25;
	v32 =	vadd.s32 $0xFFFFFFFF, v35;
	(erf) = vrcp.f32 v25;
	(xrf2) =	vadd.scan.msk.f32 $0xffff, v31  }
0xbe: {  	vm5 =	vgt.s32 v16, $0x0;
	vm7 =	vgt.s32 v26, v23;
	vm12 =	vgt.s32 v32, $0x0  }
0xbf: {  	v11 =	vnsel vm5, $0x3F800000, v11;
	v26 =	vnsel vm7, $0x3F800000, v22;
	v23 =	vld [tilespmem:s19+$0xFFFFFFC1];
	v22 =	vnsel vm12, $0x0, v32  }
0xc0: {  	v7 =	vadd.f32 v7, v17;
	v25 =	vsub.f32 $1.000000000e+00, v11;
	v9 =	vld.idx.msk [tilespmem:v9+s11+$0x0], $0xffff;
	(erf) = vrcp.f32 v11;
	(xrf2) =	vadd.scan.msk.f32 $0xffff, v26  }
0xc1: {  	vm7 =	vgt.s32 v24, $0x0;
	vm12 =	vgt.s32 v28, v16;
	v11 =	vadd.s32 $0xFFFFFFFF, v10;
	v16 =	vpop (erf)  }
0xc2: {  	v19 =	vnsel vm7, $0x3F800000, v19;
	v17 =	vnsel vm12, $0x3F800000, v25;
	vm12 =	vgt.s32 v11, $0x0  }
0xc3: {  	v25 =	vsub.f32 $1.000000000e+00, v19;
	v32 =	vnsel vm12, $0x0, v11;
	v28 =	vld [tilespmem:s19+$0xFFFFFFE1];
	(erf) = vrcp.f32 v19;
	(xrf2) =	vadd.scan.msk.f32 $0xffff, v17;
	v33 =	vpop (erf)  }
0xc4: {  	vm12 =	vgt.s32 v23, v24;
	v22 =	vld.idx.msk [tilespmem:v22+s11+$0x0], $0xffff;
	v11, _, _ =	vpop (xrf2);
	v23 =	vmul.f32 v13, v30;
	v24 =	vmul.f32 v8, v4  }
0xc5: {  	v4 =	vmovc v16;
	v19 =	vnsel vm12, $0x3F800000, v25;
	vm12 =	vgt.s32 v29, $0x0;
	v8 =	vsub.f32 v11, v27  }
0xc6: {  	v21 =	vmul.f32 v15, v21;
	v15 =	vmul.f32 v7, v5;
	v16 =	vnsel vm12, $0x3F800000, v9;
	(xrf2) =	vadd.scan.msk.f32 $0xffff, v19;
	v9 =	vpop (erf)  }
0xc7: {  	v18 =	vmul.f32 v18, v6;
	v34 =	vmul.f32 v12, v14;
	v27 =	vsub.f32 $1.000000000e+00, v16;
	v30 =	vld [tilespmem:s19+$0x1];
	v13, _, _ =	vpop (xrf2)  }
0xc8: {  	v5 =	vmovc v33;
	vm14 =	vgt.s32 v28, v29;
	v7 =	vsub.f32 v13, v31;
	v25 =	vld.idx.msk [tilespmem:v32+s11+$0x0], $0xffff;
	(erf) = vrcp.f32 v16  }
.Ltmp1:
0xc9: {  	v6 =	vnsel vm11, $0x0, v24;
	v16 =	vnsel vm14, $0x3F800000, v27;
	vm14 =	vgt.s32 v35, $0x0;
	v12 =	vpop (erf);
	(pc) =	sbr.rel @p0 .LBB2_4-.Ltmp1, $4  }
0xca: {  	s17 =	sadd.s32 $0x80, s17;
	v23 =	vnsel vm3, $0x0, v23;
	v27 =	vnsel vm9, $0x0, v15;
	v24 =	vnsel vm14, $0x3F800000, v22;
	(xrf2) =	vadd.scan.msk.f32 $0xffff, v16;
	v22, _, _ =	vpop (xrf2)  }
0xcb: {  	v14 =	vnsel vm13, $0x0, v21;
	v15 =	vsub.f32 v22, v26;
	v28 =	vsub.f32 $1.000000000e+00, v24;
	v26 =	vld [tilespmem:s19+$0x21];
	[tilespmem:s17+$0x30] =	vst v6  }
0xcc: {  	v21 =	vnsel vm8, $0x0, v20;
	vm3 =	vgt.s32 v30, v35;
	v6 =	vpop (erf);
	(erf) = vrcp.f32 v24;
	[tilespmem:s17+$0x20] =	vst v23  }
0xcd: {  	s19 =	sadd.s32 $0x80, s19;
	v23 =	vnsel vm10, $0x0, v34;
	v20 =	vnsel vm3, $0x3F800000, v28;
	vm3 =	vgt.s32 v10, $0x0;
	v24, _, _ =	vpop (xrf2);
	[tilespmem:s17+$0x10] =	vst v27  }
0xce: {  	v11 =	vnsel vm3, $0x3F800000, v25;
	(xrf2) =	vadd.scan.msk.f32 $0xffff, v20  }
0xcf: {  	v25 =	vsub.f32 $1.000000000e+00, v11  }
0xd0: {  	vm8 =	vgt.s32 v26, v10;
	v47, _, _ =	vpop (xrf2)  }
0xd1: {  	v25 =	vnsel vm8, $0x3F800000, v25;
	v48 =	vperm.xlane v47, v1  }
0xd2: {  	(xrf2) =	vadd.scan.msk.f32 $0xffff, v25  }
0xd3: {  	v27 =	vperm.xlane v24, v1;
	v26 =	vadd.f32 v48, v3  }
0xd4: {  	v28, _, _ =	vpop (xrf2)  }
0xd5: {  	v27 =	vadd.f32 v27, v26;
	v29 =	vperm.xlane v28, v1;
	_ =	sdelay $0x1  }
0xd6: {  	v22 =	vperm.xlane v22, v1;
	v29 =	vadd.f32 v29, v27  }
0xd7: {  	v13 =	vperm.xlane v13, v1;
	v17 =	vsub.f32 v24, v17;
	v30, _, _ =	vpop (xrf2)  }
0xd8: {  	v2 =	vnsel vm1, $0x0, v2;
	v22 =	vadd.f32 v22, v29;
	v31 =	vperm.xlane v30, v1  }
0xd9: {  	vm10 =	vmmov vm6;
	v18 =	vnsel vm0, $0x0, v18;
	v10 =	vsub.f32 v47, v19  }
0xda: {  	(erf) = vrcp.f32 v11;
	[tilespmem:s17+$0xFFFFFFD0] =	vst v2;
	v2 =	vsub.f32 v28, v16;
	v49 =	vadd.f32 v31, v22  }
0xdb: {  	vm11 =	vmmov vm14;
	vm13 =	vmmov vm12;
	v3 =	vadd.f32 v10, v3;
	v50, _, _ =	vpop (xrf2)  }
0xdc: {  	v2 =	vadd.f32 v2, v27;
	v13 =	vadd.f32 v13, v49;
	v32 =	vperm.xlane v50, v1  }
0xdd: {  	[tilespmem:s17+$0x0] =	vst v14;
	vm15 =	vmmov vm7;
	v54 =	vpop (erf);
	v52 =	vsub.f32 v30, v20;
	v59 =	vadd.f32 v15, v29  }
0xde: {  	[tilespmem:s17+$0xFFFFFFF0] =	vst v21;
	vm8 =	vmmov vm2;
	v2 =	vmul.f32 v2, v54;
	v51 =	vadd.f32 v32, v13  }
0xdf: {  	[tilespmem:s17+$0xFFFFFFE0] =	vst v23;
	v3 =	vmul.f32 v3, v6;
	v57 =	vadd.f32 v52, v22;
	v9 =	vmul.f32 v59, v9  }
0xe0: {  	s31 =	sadd.s32 $0x80, s17;
	[tilespmem:s17+$0xFFFFFFC0] =	vst v18;
	v55 =	vpop (erf);
	v2 =	vnsel vm13, $0x0, v2;
	v53 =	vsub.f32 v50, v25;
	v8 =	vadd.f32 v8, v51  }
0xe1: {  	[tilespmem:s31+$0xFFFFFFE0] =	vst v2;
	v2 =	vnsel vm15, $0x0, v3;
	v7 =	vadd.f32 v7, v49;
	v60 =	vmul.f32 v57, v55  }
0xe2: {  	v63 =	vnsel vm10, $0x0, v9;
	[tilespmem:s31+$0xFFFFFFC0] =	vst v2;
	v13 =	vadd.f32 v53, v13;
	v4 =	vmul.f32 v8, v4  }
0xe3: {  	v62 =	vadd.f32 v17, v26;
	v56 =	vpop (erf);
	[tilespmem:s31+$0xFFFFFFF0] =	vst v63;
	v5 =	vmul.f32 v7, v5;
	v7 =	vnsel vm11, $0x0, v60  }
0xe4: {  	vm9 =	vmmov vm4;
	[tilespmem:s31+$0x0] =	vst v7;
	v58 =	vmul.f32 v13, v56;
	v4 =	vnsel vm8, $0x0, v4  }
0xe5: {  	v5 =	vnsel vm9, $0x0, v5;
	[tilespmem:s31+$0x30] =	vst v4;
	v4 =	vmul.f32 v62, v12  }
0xe6: {  	vm14 =	vmmov vm5;
	s16 =	sadd.s32 $0x1, s16;
	[tilespmem:s31+$0x10] =	vst v5;
	v61 =	vnsel vm3, $0x0, v58  }
0xe7: {  	p0 =	sne.s32 s16, s7;
	[tilespmem:s31+$0x20] =	vst v61;
	v4 =	vnsel vm14, $0x0, v4  }
.Ltmp2:
0xe8: {  	[tilespmem:s31+$0xFFFFFFD0] =	vst v4;
	(pc) =	sbr.rel @p0 .LBB2_1-.Ltmp2, $4  }
0xe9: {  	[hbm4b:s6+s9] =	stream.strided.scatter [tilespmem:s14], [sflag:$0x3], $0x800, s10, s9, $0x38;
	[tilespmem:$0x1A80] =	vst v63  }
0xea: {  	_ =	swait.ge [sflag:s15], $0x800  }
0xeb: {  	[sflag:s15] =	ssyncset.done $0x0  }
0xec: {  	[sflag:s15] =	ssyncadd.s32 $0xFFFFF800  }
0xed: {  	_ =	sfence.sel $0x180000  }
0xee: {  	[bflag:$0x0] =	sbarrier.arrive $0xFFFF  }
0xef: {  	p0 =	sne.s32 s1, $0x0;
	_ =	strace $0x90000047  }
0xf0: {  	s0 =	sadd.s32 @!p0 $0x100000, s0;
	[bflag:$0x2] =	sbarrier.arrive $0xFFFF  }
0xf1: {  	[sflag:s0] =	ssyncadd.tile.s32 @!p0 $0x1;
	_ =	shalt  }
.Lfunc_end2:
_tile_overlayer_lowered:
.L_overlay_start_2:
0xf2: {  	(tag) =	ssettag $0x2  }
0xf3: {  	s0 =	rddreg [dreg:$0x0];
	s2 =	stileid.u32  }
0xf4: {  	s1 =	rddreg [dreg:$0x1];
	p0 =	sne.s32 s2, $0x0  }
0xf5: {  	s3 =	rddreg [dreg:$0x2];
	[bflag:$0x3] =	sbarrier.arrive $0xFFFF;
	s2 =	simm.s32 @!p0 $0x1C03  }
0xf6: {  	[timem:s3], [sflag:s2] =	dma.local @!p0 [hbm:s0], s1  }
0xf7: {  	s0 =	simm.s32 @!p0 $0x3  }
0xf8: {  	_ =	swait.ge @!p0 [sflag:s0], s1  }
0xf9: {  	s1 =	ssub.s32 @!p0 $0x0, s1;
	[sflag:s0] =	ssyncset.done @!p0 $0x0  }
0xfa: {  	[sflag:s0] =	ssyncadd.s32 @!p0 s1  }
0xfb: {  	[bflag:$0x3] =	sbarrier.arrive $0xFFFF  }
0xfc: {  	_ =	shalt  }

</sc_bundles>
